<compile_context>
chip_gen: v7x
topology: tpu7x:2x2x1
jax: 0.10.2.dev20260603
libtpu: 0.0.44.dev20260713+nightly
codegen_flags: <defaults>
</compile_context>

<pallas_src>
import functools

import jax
import jax.numpy as jnp
from jax import lax
from jax.experimental import pallas as pl
from jax.experimental.pallas import tpu as pltpu
from jax.experimental.pallas import tpu_sc as plsc

VOCAB = 100000
EMB_DIM = 128
B, L = 4096, 200
HALF = VOCAB // 2

GRID_T = 5
ROWS_T = HALF // GRID_T

NC, NS = 2, 16
NW = NC * NS
ROWS_W = B // NW
GROUPS_W = ROWS_W // 16
UNROLL = 8
TW_PAD = HALF + 16


def _tc_body(w1_ref, w2_ref, b1_ref, b2_ref, tla_ref, tlb_ref, t_ref, c_ref):
    v = jnp.dot(w2_ref[...], w1_ref[...], preferred_element_type=jnp.float32)
    dims = (((1,), (1,)), ((), ()))
    ta = lax.dot_general(v, tla_ref[...], dims,
                         preferred_element_type=jnp.float32)
    tb = lax.dot_general(v, tlb_ref[...], dims,
                         preferred_element_type=jnp.float32)
    ba = lax.bitcast_convert_type(ta, jnp.int32)
    bb = lax.bitcast_convert_type(tb, jnp.int32)
    t_ref[0, :, :] = ((ba >> 16) & 0xFFFF) | (bb & jnp.int32(-65536))
    c = jnp.sum(w2_ref[...] * b1_ref[...]) + b2_ref[0, 0]
    c_ref[...] = jnp.full((1, 128), c, jnp.float32)


def _tc_stage(emb_table, W1, b1, W2, b2):
    tw3, c_out = pl.pallas_call(
        _tc_body,
        grid=(GRID_T,),
        in_specs=[
            pl.BlockSpec((64, EMB_DIM), lambda i: (0, 0)),
            pl.BlockSpec((1, 64), lambda i: (0, 0)),
            pl.BlockSpec((1, 64), lambda i: (0, 0)),
            pl.BlockSpec((1, 1), lambda i: (0, 0)),
            pl.BlockSpec((ROWS_T, EMB_DIM), lambda i: (i, 0)),
            pl.BlockSpec((ROWS_T, EMB_DIM), lambda i: (i + GRID_T, 0)),
        ],
        out_specs=[
            pl.BlockSpec((1, 1, ROWS_T), lambda i: (i, 0, 0)),
            pl.BlockSpec((1, 128), lambda i: (0, 0)),
        ],
        out_shape=[
            jax.ShapeDtypeStruct((GRID_T, 1, ROWS_T), jnp.int32),
            jax.ShapeDtypeStruct((1, 128), jnp.float32),
        ],
    )(W1, W2, b1.reshape(1, 64), b2.reshape(1, 1), emb_table, emb_table)
    return tw3.reshape(HALF), c_out.reshape(128)


_SC_MESH = plsc.VectorSubcoreMesh(
    core_axis_name="c", subcore_axis_name="s", num_cores=NC, num_subcores=NS
)


@functools.partial(
    pl.kernel,
    out_type=jax.ShapeDtypeStruct((B,), jnp.float32),
    mesh=_SC_MESH,
    compiler_params=pltpu.CompilerParams(needs_layout_passes=False),
    scratch_types=[
        pltpu.VMEM((TW_PAD,), jnp.int32),
        pltpu.VMEM((L * ROWS_W,), jnp.int32),
        pltpu.VMEM((ROWS_W,), jnp.float32),
        pltpu.VMEM((16,), jnp.float32),
        pltpu.VMEM_SHARED((HALF,), jnp.int32),
        pltpu.SemaphoreType.DMA,
        pltpu.SemaphoreType.DMA,
        pltpu.SemaphoreType.DMA,
    ],
)
def _sc_pool(tw_hbm, xm_hbm, c_hbm, out_hbm, tw_v, xv, o_v, c_v, ts_sh,
             sem_t, sem_x, sem_c):
    wid = lax.axis_index("s") * NC + lax.axis_index("c")
    row0 = wid * ROWS_W
    base = wid * (L * ROWS_W)
    zero16i = jnp.zeros((16,), jnp.int32)
    zero16 = jnp.zeros((16,), jnp.float32)
    one16 = jnp.ones((16,), jnp.float32)
    half16 = jnp.full((16,), HALF, jnp.int32)
    himask = jnp.full((16,), -65536, jnp.int32)
    lomask = jnp.full((16,), 0x7FFFFFFF, jnp.int32)

    with jax.named_scope("sc_copy"):
        cx = pltpu.async_copy(
            xm_hbm.at[pl.ds(base, L * ROWS_W)], xv, sem_x)
        cc = pltpu.async_copy(c_hbm.at[pl.ds(0, 16)], c_v, sem_c)

        @pl.when(lax.axis_index("s") == 0)
        def _():
            pltpu.sync_copy(tw_hbm, ts_sh)

        plsc.subcore_barrier()
        ct = pltpu.async_copy(ts_sh, tw_v.at[pl.ds(0, HALF)], sem_t)
        tw_v[pl.ds(HALF, 16)] = zero16i
        ct.wait()
        cx.wait()
        cc.wait()

    c16 = c_v[...]

    with jax.named_scope("sc_compute"):
        def group(g, _):
            goff = g * 16

            def body(kk, carry):
                acc, mac = carry
                for u in range(UNROLL):
                    xi = xv[pl.ds((kk * UNROLL + u) * ROWS_W + goff, 16)]
                    hi = xi < zero16i
                    wi = xi & lomask
                    w = plsc.load_gather(tw_v, [wi])
                    bits = jnp.where(hi, w & himask, w << 16)
                    acc = acc + plsc.bitcast(bits, jnp.float32)
                    mac = mac + jnp.where(wi < half16, one16, zero16)
                return acc, mac

            acc, mac = lax.fori_loop(0, L // UNROLL, body, (zero16, zero16))
            z = acc / jnp.maximum(mac, one16) + c16
            o_v[pl.ds(goff, 16)] = one16 / (one16 + jnp.exp(-z))
            return 0

        lax.fori_loop(0, GROUPS_W, group, 0)

    pltpu.sync_copy(o_v, out_hbm.at[pl.ds(row0, ROWS_W)])


def kernel(x, attention_mask, emb_table, W1, b1, W2, b2):
    tw, c_vec = _tc_stage(emb_table, W1, b1, W2, b2)
    xm = jnp.where(attention_mask != 0, x.astype(jnp.int32), VOCAB)
    xm = jnp.where(xm >= HALF, (xm - HALF) | jnp.int32(-(2**31)), xm)
    xm = xm.reshape(NW, ROWS_W, L).swapaxes(1, 2)
    return _sc_pool(tw, xm.reshape(B * L), c_vec)

# --- scband reference (transcript-rebuilt; emitter-appended) ---
"""Pipeline reference for scband-fast-text-classifier-68298569941774 (READ-ONLY COPY).

The authoritative reference and input builder live on the scoring server;
editing this copy changes nothing except your own understanding.
"""

import jax, jax.numpy as jnp
import numpy as np

VOCAB = 100000
EMB_DIM = 128
FC_DIM = 64
B, L = 4096, 200

def setup_inputs(seed: int = 0) -> dict:
    key = jax.random.key(seed)
    k1, k2, k3, k4, k5, k6, k7 = jax.random.split(key, 7)
    x = jax.random.randint(k1, (B, L), 0, VOCAB, dtype=jnp.int64) if jax.config.jax_enable_x64 else jax.random.randint(k1, (B, L), 0, VOCAB).astype(jnp.int32)
    attention_mask = jax.random.randint(k2, (B, L), 0, 2).astype(jnp.int32)
    emb_table = jax.random.normal(k3, (VOCAB, EMB_DIM), dtype=jnp.float32) * 0.02
    W1 = jax.random.normal(k4, (FC_DIM, EMB_DIM), dtype=jnp.float32) * (1.0 / np.sqrt(EMB_DIM))
    b1 = jnp.zeros((FC_DIM,), dtype=jnp.float32)
    W2 = jax.random.normal(k5, (1, FC_DIM), dtype=jnp.float32) * (1.0 / np.sqrt(FC_DIM))
    b2 = jnp.zeros((1,), dtype=jnp.float32)
    return {"x": x, "attention_mask": attention_mask, "emb_table": emb_table, "W1": W1, "b1": b1, "W2": W2, "b2": b2}

def reference(x, attention_mask, emb_table, W1, b1, W2, b2):
    # EmbeddingBag(mode='mean') over tokens selected by attention_mask, per row.
    # masked_select flattens row-major and offsets are per-row cumulative lengths,
    # so each bag = the masked tokens of one row -> equivalent to masked mean per row.
    maskf = attention_mask.astype(jnp.float32)
    emb = jnp.take(emb_table, x, axis=0)            # gather [B, L, D]
    summed = jnp.sum(emb * maskf[:, :, None], axis=1)  # [B, D]
    counts = jnp.maximum(jnp.sum(maskf, axis=1, keepdims=True), 1.0)
    embedded = summed / counts                       # mean-pooled bags [B, D]
    pre = embedded @ W1.T + b1                       # [B, 64]
    h = pre @ W2.T + b2                              # [B, 1]
    return jax.nn.sigmoid(h).squeeze()               # [B]

if __name__ == "__main__":
    import jax
    _d = setup_inputs()
    print(jax.jit(kernel)(*tuple(_d.values())))

</pallas_src>

<mosaic_0001>
#map = affine_map<(d0, d1) -> (0)>
module attributes {stable_mosaic.version = 14 : i64} {
  func.func @_sc_pool(%arg0: i32, %arg1: i32, %arg2: memref<50000xi32, #tpu.memory_space<hbm>>, %arg3: memref<819200xi32, #tpu.memory_space<hbm>>, %arg4: memref<128xf32, #tpu.memory_space<hbm>>, %arg5: memref<4096xf32, #tpu.memory_space<hbm>>, %arg6: memref<50016xi32, #tpu.memory_space<vmem>>, %arg7: memref<25600xi32, #tpu.memory_space<vmem>>, %arg8: memref<128xf32, #tpu.memory_space<vmem>>, %arg9: memref<16xf32, #tpu.memory_space<vmem>>, %arg10: memref<50000xi32, #tpu.memory_space<vmem_shared>>, %arg11: memref<!tpu.dma_semaphore, #tpu.memory_space<semaphore_mem>>, %arg12: memref<!tpu.dma_semaphore, #tpu.memory_space<semaphore_mem>>, %arg13: memref<!tpu.dma_semaphore, #tpu.memory_space<semaphore_mem>>) attributes {dimension_semantics = [#tpu.dimension_semantics<core_parallel>, #tpu.dimension_semantics<subcore_parallel>], iteration_bounds = array<i64: 2, 16>, scalar_prefetch = 0 : i64, scratch_operands = 8 : i64, tpu.core_type = #tpu.core_type<sc_vector_subcore>, window_params = [{transform_indices = #map}, {transform_indices = #map}, {transform_indices = #map}, {transform_indices = #map}]} {
    %mul3A = arith.constant 2 : i32
    %mul3A_0 = arith.muli %arg1, %mul3A : i32
    %add3A = arith.addi %mul3A_0, %arg0 : i32
    %mul3A_1 = arith.constant 128 : i32
    %mul3A_2 = arith.muli %add3A, %mul3A_1 : i32
    %mul3A_3 = arith.constant 25600 : i32
    %mul3A_4 = arith.muli %add3A, %mul3A_3 : i32
    %broadcast_in_dim3A = arith.constant 0 : i32
    %broadcast_in_dim3A_5 = vector.broadcast %broadcast_in_dim3A : i32 to vector<16xi32>
    %broadcast_in_dim3A_6 = arith.constant 0.000000e+00 : f32
    %broadcast_in_dim3A_7 = vector.broadcast %broadcast_in_dim3A_6 : f32 to vector<16xf32>
    %broadcast_in_dim3A_8 = arith.constant 1.000000e+00 : f32
    %broadcast_in_dim3A_9 = vector.broadcast %broadcast_in_dim3A_8 : f32 to vector<16xf32>
    %broadcast_in_dim3A_10 = arith.constant 50000 : i32
    %broadcast_in_dim3A_11 = vector.broadcast %broadcast_in_dim3A_10 : i32 to vector<16xi32>
    %broadcast_in_dim3A_12 = arith.constant -65536 : i32
    %broadcast_in_dim3A_13 = vector.broadcast %broadcast_in_dim3A_12 : i32 to vector<16xi32>
    %broadcast_in_dim3A_14 = arith.constant 2147483647 : i32
    %broadcast_in_dim3A_15 = vector.broadcast %broadcast_in_dim3A_14 : i32 to vector<16xi32>
    "tpu.trace_start"() <{level = 10 : i32, message = "sc_copy"}> : () -> ()
    %dma_start3A = tpu.memref_slice %arg3[%mul3A_4] : memref<819200xi32, #tpu.memory_space<hbm>> -> memref<25600xi32, #tpu.memory_space<hbm>>
    %dma_start3A_16 = tpu.memref_slice %arg3[%mul3A_4] : memref<819200xi32, #tpu.memory_space<hbm>> -> memref<25600xi32, #tpu.memory_space<hbm>>
    tpu.enqueue_dma source(%dma_start3A_16 : memref<25600xi32, #tpu.memory_space<hbm>>) target(%arg7 : memref<25600xi32, #tpu.memory_space<vmem>>) target_semaphore(%arg12 : memref<!tpu.dma_semaphore, #tpu.memory_space<semaphore_mem>>)
    %dma_start3A_17 = arith.constant 0 : i32
    %dma_start3A_18 = tpu.memref_slice %arg4[%dma_start3A_17] : memref<128xf32, #tpu.memory_space<hbm>> -> memref<16xf32, #tpu.memory_space<hbm>>
    %dma_start3A_19 = arith.constant 0 : i32
    %dma_start3A_20 = tpu.memref_slice %arg4[%dma_start3A_19] : memref<128xf32, #tpu.memory_space<hbm>> -> memref<16xf32, #tpu.memory_space<hbm>>
    tpu.enqueue_dma source(%dma_start3A_20 : memref<16xf32, #tpu.memory_space<hbm>>) target(%arg9 : memref<16xf32, #tpu.memory_space<vmem>>) target_semaphore(%arg13 : memref<!tpu.dma_semaphore, #tpu.memory_space<semaphore_mem>>)
    %eq3A = arith.constant 0 : i32
    %eq3A_21 = arith.cmpi eq, %arg1, %eq3A : i32
    %convert_element_type3A = arith.extui %eq3A_21 : i1 to i32
    %cond3A = arith.constant 0 : i32
    %cond3A_22 = arith.cmpi ne, %convert_element_type3A, %cond3A : i32
    scf.if %cond3A_22 {
      "tpu.region"() ({
        %run_scoped3A = tpu.sem_alloc : memref<!tpu.dma_semaphore, #tpu.memory_space<semaphore_mem>>
        tpu.enqueue_dma source(%arg2 : memref<50000xi32, #tpu.memory_space<hbm>>) target(%arg10 : memref<50000xi32, #tpu.memory_space<vmem_shared>>) target_semaphore(%run_scoped3A : memref<!tpu.dma_semaphore, #tpu.memory_space<semaphore_mem>>)
        tpu.wait_dma2 semaphore(%run_scoped3A : memref<!tpu.dma_semaphore, #tpu.memory_space<semaphore_mem>>) src(%arg2 : memref<50000xi32, #tpu.memory_space<hbm>>) dst(%arg10 : memref<50000xi32, #tpu.memory_space<vmem_shared>>)
        tpu.yield
      }) : () -> ()
    } else {
    }
    %barrier3A = arith.constant 0 : index
    tpu.barrier barrier_id(%barrier3A)
    %dma_start3A_23 = arith.constant 0 : i32
    %dma_start3A_24 = tpu.memref_slice %arg6[%dma_start3A_23] : memref<50016xi32, #tpu.memory_space<vmem>> -> memref<50000xi32, #tpu.memory_space<vmem>>
    %dma_start3A_25 = arith.constant 0 : i32
    %dma_start3A_26 = tpu.memref_slice %arg6[%dma_start3A_25] : memref<50016xi32, #tpu.memory_space<vmem>> -> memref<50000xi32, #tpu.memory_space<vmem>>
    tpu.enqueue_dma source(%arg10 : memref<50000xi32, #tpu.memory_space<vmem_shared>>) target(%dma_start3A_26 : memref<50000xi32, #tpu.memory_space<vmem>>) target_semaphore(%arg11 : memref<!tpu.dma_semaphore, #tpu.memory_space<semaphore_mem>>)
    %swap3A = arith.constant 50000 : index
    %swap3A_27 = tpu.vector_load %arg6[%swap3A] {strides = array<i32>} : memref<50016xi32, #tpu.memory_space<vmem>>, vector<16xi32>,
    tpu.vector_store %arg6[%swap3A], %broadcast_in_dim3A_5 {strides = array<i32>} : memref<50016xi32, #tpu.memory_space<vmem>>, vector<16xi32>,
    %dma_wait3A = arith.constant 0 : i32
    %dma_wait3A_28 = tpu.memref_slice %arg6[%dma_wait3A] : memref<50016xi32, #tpu.memory_space<vmem>> -> memref<50000xi32, #tpu.memory_space<vmem>>
    %dma_wait3A_29 = arith.constant 0 : i32
    %dma_wait3A_30 = tpu.memref_slice %arg6[%dma_wait3A_29] : memref<50016xi32, #tpu.memory_space<vmem>> -> memref<50000xi32, #tpu.memory_space<vmem>>
    tpu.wait_dma2 semaphore(%arg11 : memref<!tpu.dma_semaphore, #tpu.memory_space<semaphore_mem>>) src(%arg10 : memref<50000xi32, #tpu.memory_space<vmem_shared>>) dst(%dma_wait3A_30 : memref<50000xi32, #tpu.memory_space<vmem>>)
    %dma_wait3A_31 = tpu.memref_slice %arg3[%mul3A_4] : memref<819200xi32, #tpu.memory_space<hbm>> -> memref<25600xi32, #tpu.memory_space<hbm>>
    %dma_wait3A_32 = tpu.memref_slice %arg3[%mul3A_4] : memref<819200xi32, #tpu.memory_space<hbm>> -> memref<25600xi32, #tpu.memory_space<hbm>>
    tpu.wait_dma2 semaphore(%arg12 : memref<!tpu.dma_semaphore, #tpu.memory_space<semaphore_mem>>) src(%dma_wait3A_32 : memref<25600xi32, #tpu.memory_space<hbm>>) dst(%arg7 : memref<25600xi32, #tpu.memory_space<vmem>>)
    %dma_wait3A_33 = arith.constant 0 : i32
    %dma_wait3A_34 = tpu.memref_slice %arg4[%dma_wait3A_33] : memref<128xf32, #tpu.memory_space<hbm>> -> memref<16xf32, #tpu.memory_space<hbm>>
    %dma_wait3A_35 = arith.constant 0 : i32
    %dma_wait3A_36 = tpu.memref_slice %arg4[%dma_wait3A_35] : memref<128xf32, #tpu.memory_space<hbm>> -> memref<16xf32, #tpu.memory_space<hbm>>
    tpu.wait_dma2 semaphore(%arg13 : memref<!tpu.dma_semaphore, #tpu.memory_space<semaphore_mem>>) src(%dma_wait3A_36 : memref<16xf32, #tpu.memory_space<hbm>>) dst(%arg9 : memref<16xf32, #tpu.memory_space<vmem>>)
    "tpu.trace_stop"() : () -> ()
    %get3A = arith.constant 0 : index
    %get3A_37 = tpu.vector_load %arg9[%get3A] {strides = array<i32>} : memref<16xf32, #tpu.memory_space<vmem>>, vector<16xf32>,
    "tpu.trace_start"() <{level = 10 : i32, message = "sc_compute"}> : () -> ()
    %scan3A = arith.constant 0 : i32
    %scan3A_38 = arith.constant 0 : i32
    %scan3A_39 = arith.constant 8 : i32
    %scan3A_40 = arith.addi %scan3A_38, %scan3A_39 : i32
    %scan3A_41 = arith.constant 1 : i32
    %scan3A_42 = scf.for %scan3A_44 = %scan3A_38 to %scan3A_40 step %scan3A_41 iter_args(%scan3A_45 = %scan3A) -> (i32)  : i32 {
      %mul3A_46 = arith.constant 16 : i32
      %mul3A_47 = arith.muli %scan3A_44, %mul3A_46 : i32
      %scan3A_48 = arith.constant 0 : i32
      %scan3A_49 = arith.constant 25 : i32
      %scan3A_50 = arith.addi %scan3A_48, %scan3A_49 : i32
      %scan3A_51 = arith.constant 1 : i32
      %scan3A_52:2 = scf.for %scan3A_62 = %scan3A_48 to %scan3A_50 step %scan3A_51 iter_args(%scan3A_63 = %broadcast_in_dim3A_7, %scan3A_64 = %broadcast_in_dim3A_7) -> (vector<16xf32>, vector<16xf32>)  : i32 {
        %mul3A_65 = arith.constant 8 : i32
        %mul3A_66 = arith.muli %scan3A_62, %mul3A_65 : i32
        %add3A_67 = arith.constant 0 : i32
        %add3A_68 = arith.addi %mul3A_66, %add3A_67 : i32
        %mul3A_69 = arith.constant 128 : i32
        %mul3A_70 = arith.muli %add3A_68, %mul3A_69 : i32
        %add3A_71 = arith.addi %mul3A_70, %mul3A_47 : i32
        %get3A_72 = arith.index_cast %add3A_71 : i32 to index
        %get3A_73 = tpu.vector_load %arg7[%get3A_72] {strides = array<i32>} : memref<25600xi32, #tpu.memory_space<vmem>>, vector<16xi32>,
        %lt3A = arith.cmpi slt, %get3A_73, %broadcast_in_dim3A_5 : vector<16xi32>
        %and3A = arith.andi %get3A_73, %broadcast_in_dim3A_15 : vector<16xi32>
        %gather3A = tpu.vector_load_idx %arg6[%and3A] : memref<50016xi32, #tpu.memory_space<vmem>>[vector<16xi32>], vector<16xi32>,
        %and3A_74 = arith.andi %gather3A, %broadcast_in_dim3A_13 : vector<16xi32>
        %shift_left3A = arith.constant 16 : i32
        %shift_left3A_75 = vector.broadcast %shift_left3A : i32 to vector<16xi32>
        %shift_left3A_76 = arith.shli %gather3A, %shift_left3A_75 : vector<16xi32>
        %select_n3A = arith.select %lt3A, %and3A_74, %shift_left3A_76 : vector<16xi1>, vector<16xi32>
        %bitcast3A = vector.bitcast %select_n3A : vector<16xi32> to vector<16xf32>
        %add3A_77 = arith.addf %scan3A_63, %bitcast3A : vector<16xf32>
        %lt3A_78 = arith.cmpi slt, %and3A, %broadcast_in_dim3A_11 : vector<16xi32>
        %select_n3A_79 = arith.select %lt3A_78, %broadcast_in_dim3A_9, %broadcast_in_dim3A_7 : vector<16xi1>, vector<16xf32>
        %add3A_80 = arith.addf %scan3A_64, %select_n3A_79 : vector<16xf32>
        %mul3A_81 = arith.constant 8 : i32
        %mul3A_82 = arith.muli %scan3A_62, %mul3A_81 : i32
        %add3A_83 = arith.constant 1 : i32
        %add3A_84 = arith.addi %mul3A_82, %add3A_83 : i32
        %mul3A_85 = arith.constant 128 : i32
        %mul3A_86 = arith.muli %add3A_84, %mul3A_85 : i32
        %add3A_87 = arith.addi %mul3A_86, %mul3A_47 : i32
        %get3A_88 = arith.index_cast %add3A_87 : i32 to index
        %get3A_89 = tpu.vector_load %arg7[%get3A_88] {strides = array<i32>} : memref<25600xi32, #tpu.memory_space<vmem>>, vector<16xi32>,
        %lt3A_90 = arith.cmpi slt, %get3A_89, %broadcast_in_dim3A_5 : vector<16xi32>
        %and3A_91 = arith.andi %get3A_89, %broadcast_in_dim3A_15 : vector<16xi32>
        %gather3A_92 = tpu.vector_load_idx %arg6[%and3A_91] : memref<50016xi32, #tpu.memory_space<vmem>>[vector<16xi32>], vector<16xi32>,
        %and3A_93 = arith.andi %gather3A_92, %broadcast_in_dim3A_13 : vector<16xi32>
        %shift_left3A_94 = arith.constant 16 : i32
        %shift_left3A_95 = vector.broadcast %shift_left3A_94 : i32 to vector<16xi32>
        %shift_left3A_96 = arith.shli %gather3A_92, %shift_left3A_95 : vector<16xi32>
        %select_n3A_97 = arith.select %lt3A_90, %and3A_93, %shift_left3A_96 : vector<16xi1>, vector<16xi32>
        %bitcast3A_98 = vector.bitcast %select_n3A_97 : vector<16xi32> to vector<16xf32>
        %add3A_99 = arith.addf %add3A_77, %bitcast3A_98 : vector<16xf32>
        %lt3A_100 = arith.cmpi slt, %and3A_91, %broadcast_in_dim3A_11 : vector<16xi32>
        %select_n3A_101 = arith.select %lt3A_100, %broadcast_in_dim3A_9, %broadcast_in_dim3A_7 : vector<16xi1>, vector<16xf32>
        %add3A_102 = arith.addf %add3A_80, %select_n3A_101 : vector<16xf32>
        %mul3A_103 = arith.constant 8 : i32
        %mul3A_104 = arith.muli %scan3A_62, %mul3A_103 : i32
        %add3A_105 = arith.constant 2 : i32
        %add3A_106 = arith.addi %mul3A_104, %add3A_105 : i32
        %mul3A_107 = arith.constant 128 : i32
        %mul3A_108 = arith.muli %add3A_106, %mul3A_107 : i32
        %add3A_109 = arith.addi %mul3A_108, %mul3A_47 : i32
        %get3A_110 = arith.index_cast %add3A_109 : i32 to index
        %get3A_111 = tpu.vector_load %arg7[%get3A_110] {strides = array<i32>} : memref<25600xi32, #tpu.memory_space<vmem>>, vector<16xi32>,
        %lt3A_112 = arith.cmpi slt, %get3A_111, %broadcast_in_dim3A_5 : vector<16xi32>
        %and3A_113 = arith.andi %get3A_111, %broadcast_in_dim3A_15 : vector<16xi32>
        %gather3A_114 = tpu.vector_load_idx %arg6[%and3A_113] : memref<50016xi32, #tpu.memory_space<vmem>>[vector<16xi32>], vector<16xi32>,
        %and3A_115 = arith.andi %gather3A_114, %broadcast_in_dim3A_13 : vector<16xi32>
        %shift_left3A_116 = arith.constant 16 : i32
        %shift_left3A_117 = vector.broadcast %shift_left3A_116 : i32 to vector<16xi32>
        %shift_left3A_118 = arith.shli %gather3A_114, %shift_left3A_117 : vector<16xi32>
        %select_n3A_119 = arith.select %lt3A_112, %and3A_115, %shift_left3A_118 : vector<16xi1>, vector<16xi32>
        %bitcast3A_120 = vector.bitcast %select_n3A_119 : vector<16xi32> to vector<16xf32>
        %add3A_121 = arith.addf %add3A_99, %bitcast3A_120 : vector<16xf32>
        %lt3A_122 = arith.cmpi slt, %and3A_113, %broadcast_in_dim3A_11 : vector<16xi32>
        %select_n3A_123 = arith.select %lt3A_122, %broadcast_in_dim3A_9, %broadcast_in_dim3A_7 : vector<16xi1>, vector<16xf32>
        %add3A_124 = arith.addf %add3A_102, %select_n3A_123 : vector<16xf32>
        %mul3A_125 = arith.constant 8 : i32
        %mul3A_126 = arith.muli %scan3A_62, %mul3A_125 : i32
        %add3A_127 = arith.constant 3 : i32
        %add3A_128 = arith.addi %mul3A_126, %add3A_127 : i32
        %mul3A_129 = arith.constant 128 : i32
        %mul3A_130 = arith.muli %add3A_128, %mul3A_129 : i32
        %add3A_131 = arith.addi %mul3A_130, %mul3A_47 : i32
        %get3A_132 = arith.index_cast %add3A_131 : i32 to index
        %get3A_133 = tpu.vector_load %arg7[%get3A_132] {strides = array<i32>} : memref<25600xi32, #tpu.memory_space<vmem>>, vector<16xi32>,
        %lt3A_134 = arith.cmpi slt, %get3A_133, %broadcast_in_dim3A_5 : vector<16xi32>
        %and3A_135 = arith.andi %get3A_133, %broadcast_in_dim3A_15 : vector<16xi32>
        %gather3A_136 = tpu.vector_load_idx %arg6[%and3A_135] : memref<50016xi32, #tpu.memory_space<vmem>>[vector<16xi32>], vector<16xi32>,
        %and3A_137 = arith.andi %gather3A_136, %broadcast_in_dim3A_13 : vector<16xi32>
        %shift_left3A_138 = arith.constant 16 : i32
        %shift_left3A_139 = vector.broadcast %shift_left3A_138 : i32 to vector<16xi32>
        %shift_left3A_140 = arith.shli %gather3A_136, %shift_left3A_139 : vector<16xi32>
        %select_n3A_141 = arith.select %lt3A_134, %and3A_137, %shift_left3A_140 : vector<16xi1>, vector<16xi32>
        %bitcast3A_142 = vector.bitcast %select_n3A_141 : vector<16xi32> to vector<16xf32>
        %add3A_143 = arith.addf %add3A_121, %bitcast3A_142 : vector<16xf32>
        %lt3A_144 = arith.cmpi slt, %and3A_135, %broadcast_in_dim3A_11 : vector<16xi32>
        %select_n3A_145 = arith.select %lt3A_144, %broadcast_in_dim3A_9, %broadcast_in_dim3A_7 : vector<16xi1>, vector<16xf32>
        %add3A_146 = arith.addf %add3A_124, %select_n3A_145 : vector<16xf32>
        %mul3A_147 = arith.constant 8 : i32
        %mul3A_148 = arith.muli %scan3A_62, %mul3A_147 : i32
        %add3A_149 = arith.constant 4 : i32
        %add3A_150 = arith.addi %mul3A_148, %add3A_149 : i32
        %mul3A_151 = arith.constant 128 : i32
        %mul3A_152 = arith.muli %add3A_150, %mul3A_151 : i32
        %add3A_153 = arith.addi %mul3A_152, %mul3A_47 : i32
        %get3A_154 = arith.index_cast %add3A_153 : i32 to index
        %get3A_155 = tpu.vector_load %arg7[%get3A_154] {strides = array<i32>} : memref<25600xi32, #tpu.memory_space<vmem>>, vector<16xi32>,
        %lt3A_156 = arith.cmpi slt, %get3A_155, %broadcast_in_dim3A_5 : vector<16xi32>
        %and3A_157 = arith.andi %get3A_155, %broadcast_in_dim3A_15 : vector<16xi32>
        %gather3A_158 = tpu.vector_load_idx %arg6[%and3A_157] : memref<50016xi32, #tpu.memory_space<vmem>>[vector<16xi32>], vector<16xi32>,
        %and3A_159 = arith.andi %gather3A_158, %broadcast_in_dim3A_13 : vector<16xi32>
        %shift_left3A_160 = arith.constant 16 : i32
        %shift_left3A_161 = vector.broadcast %shift_left3A_160 : i32 to vector<16xi32>
        %shift_left3A_162 = arith.shli %gather3A_158, %shift_left3A_161 : vector<16xi32>
        %select_n3A_163 = arith.select %lt3A_156, %and3A_159, %shift_left3A_162 : vector<16xi1>, vector<16xi32>
        %bitcast3A_164 = vector.bitcast %select_n3A_163 : vector<16xi32> to vector<16xf32>
        %add3A_165 = arith.addf %add3A_143, %bitcast3A_164 : vector<16xf32>
        %lt3A_166 = arith.cmpi slt, %and3A_157, %broadcast_in_dim3A_11 : vector<16xi32>
        %select_n3A_167 = arith.select %lt3A_166, %broadcast_in_dim3A_9, %broadcast_in_dim3A_7 : vector<16xi1>, vector<16xf32>
        %add3A_168 = arith.addf %add3A_146, %select_n3A_167 : vector<16xf32>
        %mul3A_169 = arith.constant 8 : i32
        %mul3A_170 = arith.muli %scan3A_62, %mul3A_169 : i32
        %add3A_171 = arith.constant 5 : i32
        %add3A_172 = arith.addi %mul3A_170, %add3A_171 : i32
        %mul3A_173 = arith.constant 128 : i32
        %mul3A_174 = arith.muli %add3A_172, %mul3A_173 : i32
        %add3A_175 = arith.addi %mul3A_174, %mul3A_47 : i32
        %get3A_176 = arith.index_cast %add3A_175 : i32 to index
        %get3A_177 = tpu.vector_load %arg7[%get3A_176] {strides = array<i32>} : memref<25600xi32, #tpu.memory_space<vmem>>, vector<16xi32>,
        %lt3A_178 = arith.cmpi slt, %get3A_177, %broadcast_in_dim3A_5 : vector<16xi32>
        %and3A_179 = arith.andi %get3A_177, %broadcast_in_dim3A_15 : vector<16xi32>
        %gather3A_180 = tpu.vector_load_idx %arg6[%and3A_179] : memref<50016xi32, #tpu.memory_space<vmem>>[vector<16xi32>], vector<16xi32>,
        %and3A_181 = arith.andi %gather3A_180, %broadcast_in_dim3A_13 : vector<16xi32>
        %shift_left3A_182 = arith.constant 16 : i32
        %shift_left3A_183 = vector.broadcast %shift_left3A_182 : i32 to vector<16xi32>
        %shift_left3A_184 = arith.shli %gather3A_180, %shift_left3A_183 : vector<16xi32>
        %select_n3A_185 = arith.select %lt3A_178, %and3A_181, %shift_left3A_184 : vector<16xi1>, vector<16xi32>
        %bitcast3A_186 = vector.bitcast %select_n3A_185 : vector<16xi32> to vector<16xf32>
        %add3A_187 = arith.addf %add3A_165, %bitcast3A_186 : vector<16xf32>
        %lt3A_188 = arith.cmpi slt, %and3A_179, %broadcast_in_dim3A_11 : vector<16xi32>
        %select_n3A_189 = arith.select %lt3A_188, %broadcast_in_dim3A_9, %broadcast_in_dim3A_7 : vector<16xi1>, vector<16xf32>
        %add3A_190 = arith.addf %add3A_168, %select_n3A_189 : vector<16xf32>
        %mul3A_191 = arith.constant 8 : i32
        %mul3A_192 = arith.muli %scan3A_62, %mul3A_191 : i32
        %add3A_193 = arith.constant 6 : i32
        %add3A_194 = arith.addi %mul3A_192, %add3A_193 : i32
        %mul3A_195 = arith.constant 128 : i32
        %mul3A_196 = arith.muli %add3A_194, %mul3A_195 : i32
        %add3A_197 = arith.addi %mul3A_196, %mul3A_47 : i32
        %get3A_198 = arith.index_cast %add3A_197 : i32 to index
        %get3A_199 = tpu.vector_load %arg7[%get3A_198] {strides = array<i32>} : memref<25600xi32, #tpu.memory_space<vmem>>, vector<16xi32>,
        %lt3A_200 = arith.cmpi slt, %get3A_199, %broadcast_in_dim3A_5 : vector<16xi32>
        %and3A_201 = arith.andi %get3A_199, %broadcast_in_dim3A_15 : vector<16xi32>
        %gather3A_202 = tpu.vector_load_idx %arg6[%and3A_201] : memref<50016xi32, #tpu.memory_space<vmem>>[vector<16xi32>], vector<16xi32>,
        %and3A_203 = arith.andi %gather3A_202, %broadcast_in_dim3A_13 : vector<16xi32>
        %shift_left3A_204 = arith.constant 16 : i32
        %shift_left3A_205 = vector.broadcast %shift_left3A_204 : i32 to vector<16xi32>
        %shift_left3A_206 = arith.shli %gather3A_202, %shift_left3A_205 : vector<16xi32>
        %select_n3A_207 = arith.select %lt3A_200, %and3A_203, %shift_left3A_206 : vector<16xi1>, vector<16xi32>
        %bitcast3A_208 = vector.bitcast %select_n3A_207 : vector<16xi32> to vector<16xf32>
        %add3A_209 = arith.addf %add3A_187, %bitcast3A_208 : vector<16xf32>
        %lt3A_210 = arith.cmpi slt, %and3A_201, %broadcast_in_dim3A_11 : vector<16xi32>
        %select_n3A_211 = arith.select %lt3A_210, %broadcast_in_dim3A_9, %broadcast_in_dim3A_7 : vector<16xi1>, vector<16xf32>
        %add3A_212 = arith.addf %add3A_190, %select_n3A_211 : vector<16xf32>
        %mul3A_213 = arith.constant 8 : i32
        %mul3A_214 = arith.muli %scan3A_62, %mul3A_213 : i32
        %add3A_215 = arith.constant 7 : i32
        %add3A_216 = arith.addi %mul3A_214, %add3A_215 : i32
        %mul3A_217 = arith.constant 128 : i32
        %mul3A_218 = arith.muli %add3A_216, %mul3A_217 : i32
        %add3A_219 = arith.addi %mul3A_218, %mul3A_47 : i32
        %get3A_220 = arith.index_cast %add3A_219 : i32 to index
        %get3A_221 = tpu.vector_load %arg7[%get3A_220] {strides = array<i32>} : memref<25600xi32, #tpu.memory_space<vmem>>, vector<16xi32>,
        %lt3A_222 = arith.cmpi slt, %get3A_221, %broadcast_in_dim3A_5 : vector<16xi32>
        %and3A_223 = arith.andi %get3A_221, %broadcast_in_dim3A_15 : vector<16xi32>
        %gather3A_224 = tpu.vector_load_idx %arg6[%and3A_223] : memref<50016xi32, #tpu.memory_space<vmem>>[vector<16xi32>], vector<16xi32>,
        %and3A_225 = arith.andi %gather3A_224, %broadcast_in_dim3A_13 : vector<16xi32>
        %shift_left3A_226 = arith.constant 16 : i32
        %shift_left3A_227 = vector.broadcast %shift_left3A_226 : i32 to vector<16xi32>
        %shift_left3A_228 = arith.shli %gather3A_224, %shift_left3A_227 : vector<16xi32>
        %select_n3A_229 = arith.select %lt3A_222, %and3A_225, %shift_left3A_228 : vector<16xi1>, vector<16xi32>
        %bitcast3A_230 = vector.bitcast %select_n3A_229 : vector<16xi32> to vector<16xf32>
        %add3A_231 = arith.addf %add3A_209, %bitcast3A_230 : vector<16xf32>
        %lt3A_232 = arith.cmpi slt, %and3A_223, %broadcast_in_dim3A_11 : vector<16xi32>
        %select_n3A_233 = arith.select %lt3A_232, %broadcast_in_dim3A_9, %broadcast_in_dim3A_7 : vector<16xi1>, vector<16xf32>
        %add3A_234 = arith.addf %add3A_212, %select_n3A_233 : vector<16xf32>
        scf.yield %add3A_231, %add3A_234 : vector<16xf32>, vector<16xf32>
      }
      %scan3A_53 = arith.constant 25 : i32
      %max3A = arith.maximumf %scan3A_52#1, %broadcast_in_dim3A_9 : vector<16xf32>
      %div3A = arith.divf %scan3A_52#0, %max3A : vector<16xf32>
      %add3A_54 = arith.addf %div3A, %get3A_37 : vector<16xf32>
      %neg3A = arith.constant 0.000000e+00 : f32
      %neg3A_55 = vector.broadcast %neg3A : f32 to vector<16xf32>
      %neg3A_56 = arith.subf %neg3A_55, %add3A_54 : vector<16xf32>
      %exp3A = math.exp %neg3A_56 : vector<16xf32>
      %add3A_57 = arith.addf %broadcast_in_dim3A_9, %exp3A : vector<16xf32>
      %div3A_58 = arith.divf %broadcast_in_dim3A_9, %add3A_57 : vector<16xf32>
      %swap3A_59 = arith.index_cast %mul3A_47 : i32 to index
      %swap3A_60 = tpu.vector_load %arg8[%swap3A_59] {strides = array<i32>} : memref<128xf32, #tpu.memory_space<vmem>>, vector<16xf32>,
      tpu.vector_store %arg8[%swap3A_59], %div3A_58 {strides = array<i32>} : memref<128xf32, #tpu.memory_space<vmem>>, vector<16xf32>,
      %scan3A_61 = arith.constant 0 : i32
      scf.yield %scan3A_61 : i32
    }
    %scan3A_43 = arith.constant 8 : i32
    "tpu.trace_stop"() : () -> ()
    "tpu.region"() ({
      %run_scoped3A = tpu.sem_alloc : memref<!tpu.dma_semaphore, #tpu.memory_space<semaphore_mem>>
      %dma_start3A_44 = tpu.memref_slice %arg5[%mul3A_2] : memref<4096xf32, #tpu.memory_space<hbm>> -> memref<128xf32, #tpu.memory_space<hbm>>
      %dma_start3A_45 = tpu.memref_slice %arg5[%mul3A_2] : memref<4096xf32, #tpu.memory_space<hbm>> -> memref<128xf32, #tpu.memory_space<hbm>>
      tpu.enqueue_dma source(%arg8 : memref<128xf32, #tpu.memory_space<vmem>>) target(%dma_start3A_45 : memref<128xf32, #tpu.memory_space<hbm>>) target_semaphore(%run_scoped3A : memref<!tpu.dma_semaphore, #tpu.memory_space<semaphore_mem>>)
      %dma_wait3A_46 = tpu.memref_slice %arg5[%mul3A_2] : memref<4096xf32, #tpu.memory_space<hbm>> -> memref<128xf32, #tpu.memory_space<hbm>>
      %dma_wait3A_47 = tpu.memref_slice %arg5[%mul3A_2] : memref<4096xf32, #tpu.memory_space<hbm>> -> memref<128xf32, #tpu.memory_space<hbm>>
      tpu.wait_dma2 semaphore(%run_scoped3A : memref<!tpu.dma_semaphore, #tpu.memory_space<semaphore_mem>>) src(%arg8 : memref<128xf32, #tpu.memory_space<vmem>>) dst(%dma_wait3A_47 : memref<128xf32, #tpu.memory_space<hbm>>)
      tpu.yield
    }) : () -> ()
    return
  }
}

module attributes {stable_mosaic.version = 14 : i64} {
  func.func @_tc_body(%arg0: i32, %arg1: memref<64x128xf32, #tpu.memory_space<vmem>>, %arg2: memref<1x64xf32, #tpu.memory_space<vmem>>, %arg3: memref<1x64xf32, #tpu.memory_space<vmem>>, %arg4: memref<1x1xf32, #tpu.memory_space<vmem>>, %arg5: memref<10000x128xf32, #tpu.memory_space<vmem>>, %arg6: memref<10000x128xf32, #tpu.memory_space<vmem>>, %arg7: memref<1x1x10000xi32, #tpu.memory_space<vmem>>, %arg8: memref<1x128xf32, #tpu.memory_space<vmem>>) attributes {dimension_semantics = [#tpu.dimension_semantics<arbitrary>], iteration_bounds = array<i64: 5>, scalar_prefetch = 0 : i64, scratch_operands = 0 : i64, tpu.core_type = #tpu.core_type<tc>, window_params = [{pipeline_mode = #tpu.pipeline_mode<synchronous>, transform_indices = @transform_0, window_bounds = array<i64: 64, 128>}, {pipeline_mode = #tpu.pipeline_mode<synchronous>, transform_indices = @transform_1, window_bounds = array<i64: 1, 64>}, {pipeline_mode = #tpu.pipeline_mode<synchronous>, transform_indices = @transform_2, window_bounds = array<i64: 1, 64>}, {pipeline_mode = #tpu.pipeline_mode<synchronous>, transform_indices = @transform_3, window_bounds = array<i64: 1, 1>}, {transform_indices = @transform_4, window_bounds = array<i64: 10000, 128>}, {transform_indices = @transform_5, window_bounds = array<i64: 10000, 128>}, {transform_indices = @transform_6, window_bounds = array<i64: 1, 1, 10000>}, {pipeline_mode = #tpu.pipeline_mode<synchronous>, transform_indices = @transform_7, window_bounds = array<i64: 1, 128>}]} {
    %get3A = arith.constant 0 : index
    %get3A_0 = arith.constant 0 : index
    %get3A_1 = vector.load %arg2[%get3A, %get3A_0] : memref<1x64xf32, #tpu.memory_space<vmem>>, vector<1x64xf32>
    %get3A_2 = arith.constant 0 : index
    %get3A_3 = arith.constant 0 : index
    %get3A_4 = vector.load %arg1[%get3A_2, %get3A_3] : memref<64x128xf32, #tpu.memory_space<vmem>>, vector<64x128xf32>
    %dot_general3A = arith.constant dense<0.000000e+00> : vector<1x128xf32>
    %dot_general3A_5 = tpu.matmul %get3A_1, %get3A_4, %dot_general3A {dimension_numbers = #tpu.dot_dimension_numbers<[1], [0], [0], [1], [0, 0, 1, 1], [], []>, transpose_lhs_hint = false} : vector<1x64xf32>, vector<64x128xf32>, vector<1x128xf32> -> vector<1x128xf32>
    %get3A_6 = arith.constant 0 : index
    %get3A_7 = arith.constant 0 : index
    %get3A_8 = vector.load %arg5[%get3A_6, %get3A_7] : memref<10000x128xf32, #tpu.memory_space<vmem>>, vector<10000x128xf32>
    %dot_general3A_9 = arith.constant dense<0.000000e+00> : vector<1x10000xf32>
    %dot_general3A_10 = tpu.matmul %dot_general3A_5, %get3A_8, %dot_general3A_9 {dimension_numbers = #tpu.dot_dimension_numbers<[1], [1], [0], [0], [0, 0, 1, 0], [], []>, transpose_lhs_hint = false} : vector<1x128xf32>, vector<10000x128xf32>, vector<1x10000xf32> -> vector<1x10000xf32>
    %get3A_11 = arith.constant 0 : index
    %get3A_12 = arith.constant 0 : index
    %get3A_13 = vector.load %arg6[%get3A_11, %get3A_12] : memref<10000x128xf32, #tpu.memory_space<vmem>>, vector<10000x128xf32>
    %dot_general3A_14 = arith.constant dense<0.000000e+00> : vector<1x10000xf32>
    %dot_general3A_15 = tpu.matmul %dot_general3A_5, %get3A_13, %dot_general3A_14 {dimension_numbers = #tpu.dot_dimension_numbers<[1], [1], [0], [0], [0, 0, 1, 0], [], []>, transpose_lhs_hint = false} : vector<1x128xf32>, vector<10000x128xf32>, vector<1x10000xf32> -> vector<1x10000xf32>
    %bitcast_convert_type3A = tpu.bitcast %dot_general3A_10 : vector<1x10000xf32> -> vector<1x10000xi32>
    %bitcast_convert_type3A_16 = tpu.bitcast %dot_general3A_15 : vector<1x10000xf32> -> vector<1x10000xi32>
    %shift_right_arithmetic3A = arith.constant 16 : i32
    %shift_right_arithmetic3A_17 = vector.broadcast %shift_right_arithmetic3A : i32 to vector<1x10000xi32>
    %shift_right_arithmetic3A_18 = arith.shrsi %bitcast_convert_type3A, %shift_right_arithmetic3A_17 : vector<1x10000xi32>
    %and3A = arith.constant 65535 : i32
    %and3A_19 = vector.broadcast %and3A : i32 to vector<1x10000xi32>
    %and3A_20 = arith.andi %shift_right_arithmetic3A_18, %and3A_19 : vector<1x10000xi32>
    %and3A_21 = arith.constant -65536 : i32
    %and3A_22 = vector.broadcast %and3A_21 : i32 to vector<1x10000xi32>
    %and3A_23 = arith.andi %bitcast_convert_type3A_16, %and3A_22 : vector<1x10000xi32>
    %or3A = arith.ori %and3A_20, %and3A_23 : vector<1x10000xi32>
    %swap3A = arith.constant 0 : index
    %swap3A_24 = arith.constant 0 : index
    %swap3A_25 = arith.constant 0 : index
    %swap3A_26 = vector.load %arg7[%swap3A, %swap3A_24, %swap3A_25] : memref<1x1x10000xi32, #tpu.memory_space<vmem>>, vector<1x1x10000xi32>
    %swap3A_27 = vector.shape_cast %swap3A_26 : vector<1x1x10000xi32> to vector<1x10000xi32>
    %swap3A_28 = vector.shape_cast %or3A : vector<1x10000xi32> to vector<1x1x10000xi32>
    tpu.vector_store %arg7[%swap3A, %swap3A_24, %swap3A_25], %swap3A_28 {strides = array<i32>} : memref<1x1x10000xi32, #tpu.memory_space<vmem>>, vector<1x1x10000xi32>,
    %get3A_29 = arith.constant 0 : index
    %get3A_30 = arith.constant 0 : index
    %get3A_31 = vector.load %arg2[%get3A_29, %get3A_30] : memref<1x64xf32, #tpu.memory_space<vmem>>, vector<1x64xf32>
    %get3A_32 = arith.constant 0 : index
    %get3A_33 = arith.constant 0 : index
    %get3A_34 = vector.load %arg3[%get3A_32, %get3A_33] : memref<1x64xf32, #tpu.memory_space<vmem>>, vector<1x64xf32>
    %mul3A = arith.mulf %get3A_31, %get3A_34 : vector<1x64xf32>
    %reduce_sum3A = vector.shape_cast %mul3A : vector<1x64xf32> to vector<1x1x64xf32>
    %reduce_sum3A_35 = arith.constant dense<0.000000e+00> : vector<1xf32>
    %reduce_sum3A_36 = vector.multi_reduction <add>, %reduce_sum3A, %reduce_sum3A_35 [1, 2] : vector<1x1x64xf32> to vector<1xf32>
    %reduce_sum3A_37 = vector.shape_cast %reduce_sum3A_36 : vector<1xf32> to vector<1x1x1xf32>
    %reduce_sum3A_38 = vector.extract %reduce_sum3A_37[0, 0, 0] : f32 from vector<1x1x1xf32>
    %get3A_39 = arith.constant 0 : index
    %get3A_40 = arith.constant 0 : index
    %get3A_41 = vector.load %arg4[%get3A_39, %get3A_40] : memref<1x1xf32, #tpu.memory_space<vmem>>, vector<1x1xf32>
    %get3A_42 = vector.extract %get3A_41[0, 0] : f32 from vector<1x1xf32>
    %add3A = arith.addf %reduce_sum3A_38, %get3A_42 : f32
    %broadcast_in_dim3A = vector.broadcast %add3A : f32 to vector<1x128xf32>
    %swap3A_43 = arith.constant 0 : index
    %swap3A_44 = arith.constant 0 : index
    %swap3A_45 = vector.load %arg8[%swap3A_43, %swap3A_44] : memref<1x128xf32, #tpu.memory_space<vmem>>, vector<1x128xf32>
    tpu.vector_store %arg8[%swap3A_43, %swap3A_44], %broadcast_in_dim3A {strides = array<i32>} : memref<1x128xf32, #tpu.memory_space<vmem>>, vector<1x128xf32>,
    return
  }
  func.func @transform_0(%arg0: i32) -> (i32, i32) {
    %c0_i32 = arith.constant 0 : i32
    %c0_i32_0 = arith.constant 0 : i32
    %c0_i32_1 = arith.constant 0 : i32
    return %c0_i32, %c0_i32_0 : i32, i32
  }
  func.func @transform_1(%arg0: i32) -> (i32, i32) {
    %c0_i32 = arith.constant 0 : i32
    %c0_i32_0 = arith.constant 0 : i32
    %c0_i32_1 = arith.constant 0 : i32
    return %c0_i32, %c0_i32_0 : i32, i32
  }
  func.func @transform_2(%arg0: i32) -> (i32, i32) {
    %c0_i32 = arith.constant 0 : i32
    %c0_i32_0 = arith.constant 0 : i32
    %c0_i32_1 = arith.constant 0 : i32
    return %c0_i32, %c0_i32_0 : i32, i32
  }
  func.func @transform_3(%arg0: i32) -> (i32, i32) {
    %c0_i32 = arith.constant 0 : i32
    %c0_i32_0 = arith.constant 0 : i32
    %c0_i32_1 = arith.constant 0 : i32
    return %c0_i32, %c0_i32_0 : i32, i32
  }
  func.func @transform_4(%arg0: i32) -> (i32, i32) {
    %c0_i32 = arith.constant 0 : i32
    %c0_i32_0 = arith.constant 0 : i32
    return %arg0, %c0_i32 : i32, i32
  }
  func.func @transform_5(%arg0: i32) -> (i32, i32) {
    %add3A = arith.constant 5 : i32
    %add3A_0 = arith.addi %arg0, %add3A : i32
    %c0_i32 = arith.constant 0 : i32
    %c0_i32_1 = arith.constant 0 : i32
    return %add3A_0, %c0_i32 : i32, i32
  }
  func.func @transform_6(%arg0: i32) -> (i32, i32, i32) {
    %c0_i32 = arith.constant 0 : i32
    %c0_i32_0 = arith.constant 0 : i32
    %c0_i32_1 = arith.constant 0 : i32
    return %arg0, %c0_i32, %c0_i32_0 : i32, i32, i32
  }
  func.func @transform_7(%arg0: i32) -> (i32, i32) {
    %c0_i32 = arith.constant 0 : i32
    %c0_i32_0 = arith.constant 0 : i32
    %c0_i32_1 = arith.constant 0 : i32
    return %c0_i32, %c0_i32_0 : i32, i32
  }
}

</mosaic_0001>

<sc_bundles>
// kernel: kernel.4.cloned.1.call-start
scs
__scs_entry_jumppad:
0x0: {  	(pc) =	sbr.rel $0x88, $3  }
0x1: {  	(tag) =	ssettag $0x0;
	lr =	simm.s32 $0x1  }
0x2: {  	[smem:$0x3F9A] =	sst lr;
	_ =	strace $0xD0000000  }
0x3: {  	_ = 	snop  }
0x4: {  	_ = 	snop  }
0x5: {  	_ = 	snop  }
0x6: {  	_ = 	snop  }
0x7: {  	_ = 	snop  }
__scs_overlays_trampoline_lowered:
0x8: {  	[smem:$0x3FA9] =	sst s0  }
0x9: {  	[smem:$0x3FAA] =	sst s1  }
0xa: {  	[smem:$0x3FAB] =	sst s2  }
0xb: {  	[smem:$0x3FAC] =	sst s3  }
0xc: {  	[smem:$0x3FAD] =	sst s4  }
0xd: {  	[smem:$0x3FAE] =	sst s5  }
0xe: {  	[smem:$0x3FAF] =	sst s6  }
0xf: {  	[smem:$0x3FB0] =	sst s7  }
0x10: {  	[smem:$0x3FB1] =	sst s8  }
0x11: {  	[smem:$0x3FB2] =	sst s9;
	s0 =	simm.s32 @!p0 $0x0  }
0x12: {  	s1 =	sld [smem:$0x3F98];
	s0 =	simm.s32 @p0 $0x1  }
0x13: {  	[smem:$0x3FB3] =	sst s0;
	s0 =	simm.s32 @!p1 $0x0  }
0x14: {  	s2 =	sld [smem:$0x3F97];
	s0 =	simm.s32 @p1 $0x1  }
0x15: {  	[smem:$0x3FB4] =	sst s0;
	s0 =	simm.s32 @!p2 $0x0  }
0x16: {  	s3 =	sld [smem:$0x3FDB];
	s0 =	simm.s32 @p2 $0x1  }
0x17: {  	s4 =	simm.s32 $0x1BF5;
	[smem:$0x3FB6] =	sst s0  }
0x18: {  	s0 =	sld [smem:$0x3F99];
	_ =	swait.ge [sflag:s4], $0x0  }
0x19: {  	s7 =	sld [smem:$0x3F9A]  }
0x1a: {  	s8 =	sadd.s32 $0xFFFFE003, lr  }
0x1b: {  	s9 =	sadd.s32 $0xFFFFFEF7, lr;
	s5 =	simm.s32 $0xFFFFFFFF;
	p2 =	slt.u32 s8, $0xFFFFF086  }
0x1c: {  	p1 =	slt.u32 s9, $0xF7A;
	s5 =	simm.s32 @!p2 $0x0  }
0x1d: {  	s5 =	simm.s32 @p1 $0x1;
	p0 =	seq.s32 s7, s2  }
0x1e: {  	s7 =	smul.u32 @!p0 $0xF7A, s2;
	p2 =	seq.s32 @!p0 s5, $0x0  }
0x1f: {  	s9 =	smul.u32 $0xF7A, s1;
	s8 =	simm.s32 @!p0 $0x1BF5;
	p2 =	por !p2, p0  }
0x20: {  	[sflag:s8] =	ssyncset.s32 @!p0 $0xFFFFF086;
	s6 =	sadd.s32 @!p0 s3, s7;
	s7 =	simm.s32 @!p0 $0x108  }
0x21: {  	s3 =	sadd.s32 s3, s9;
	s6 =	sadd.s32 @!p0 $0x88, s6;
	s7 =	simm.s32 @p2 $0x1082  }
0x22: {  	[simem:s7], [sflag:s8] =	dma.local @!p0 [hbm:s6], $0xF7A  }
0x23: {  	s9 =	sor.u32 $0xD0000000, s2;
	s6 =	simm.s32 $0x108;
	_ =	swait.ge @!p0 [sflag:s8], $0x0  }
0x24: {  	s3 =	sadd.s32 $0x88, s3;
	s6 =	simm.s32 @!p1 $0x1082;
	[sflag:s4] =	ssyncset.s32 $0xFFFFF086  }
0x25: {  	[simem:s6], [sflag:s4] =	dma.local [hbm:s3], $0xF7A  }
0x26: {  	[smem:$0x3F9A] =	sst s1;
	(tag) =	ssettag s2;
	_ =	strace s9  }
0x27: {  	s1 =	sld [smem:$0x3FAA]  }
0x28: {  	s2 =	sld [smem:$0x3FAB]  }
0x29: {  	s4 =	sld [smem:$0x3FAD]  }
0x2a: {  	p0 =	seq.s32 s5, $0x0;
	s5 =	sld [smem:$0x3FAE]  }
0x2b: {  	s6 =	sld [smem:$0x3FAF]  }
0x2c: {  	s7 =	sld [smem:$0x3FB0]  }
0x2d: {  	s3 =	simm.s32 $0x108;
	s8 =	sld [smem:$0x3FB1]  }
0x2e: {  	s3 =	simm.s32 @!p0 $0x1082;
	s9 =	sld [smem:$0x3FB2]  }
0x2f: {  	lr =	sadd.s32 s0, s3;
	s0 =	sld [smem:$0x3FA9]  }
0x30: {  	s3 =	sld [smem:$0x3FAC]  }
0x31: {  	[smem:$0x3FB5] =	sst s10  }
0x32: {  	s10 =	sld [smem:$0x3FB3];
	_ =	sdelay $0x3  }
0x33: {  	p0 =	seq.s32 s10, $0x1;
	s10 =	sld [smem:$0x3FB5];
	_ =	sdelay $0x3  }
0x34: {  	[smem:$0x3FB5] =	sst s10  }
0x35: {  	s10 =	sld [smem:$0x3FB4];
	_ =	sdelay $0x3  }
0x36: {  	p1 =	seq.s32 s10, $0x1;
	s10 =	sld [smem:$0x3FB5];
	_ =	sdelay $0x3  }
0x37: {  	[smem:$0x3FB5] =	sst s10  }
0x38: {  	s10 =	sld [smem:$0x3FB6]  }
0x39: {  	_ = 	snop;
	(pc) =	sbr.ind lr, $3  }
0x3a: {  	_ = 	snop  }
0x3b: {  	_ = 	snop  }
0x3c: {  	p2 =	seq.s32 s10, $0x1;
	s10 =	sld [smem:$0x3FB5]  }
0x3d: {  	_ =	shalt  }
0x3e: {  	_ =	shalt  }
0x3f: {  	_ =	shalt  }
0x40: {  	_ =	shalt  }
0x41: {  	_ =	shalt  }
0x42: {  	_ =	shalt  }
0x43: {  	_ =	shalt  }
0x44: {  	_ =	shalt  }
0x45: {  	_ =	shalt  }
0x46: {  	_ =	shalt  }
0x47: {  	_ =	shalt  }
0x48: {  	_ =	shalt  }
0x49: {  	_ =	shalt  }
0x4a: {  	_ =	shalt  }
0x4b: {  	_ =	shalt  }
0x4c: {  	_ =	shalt  }
0x4d: {  	_ =	shalt  }
0x4e: {  	_ =	shalt  }
0x4f: {  	_ =	shalt  }
0x50: {  	_ =	shalt  }
0x51: {  	_ =	shalt  }
0x52: {  	_ =	shalt  }
0x53: {  	_ =	shalt  }
0x54: {  	_ =	shalt  }
0x55: {  	_ =	shalt  }
0x56: {  	_ =	shalt  }
0x57: {  	_ =	shalt  }
0x58: {  	_ =	shalt  }
0x59: {  	_ =	shalt  }
0x5a: {  	_ =	shalt  }
0x5b: {  	_ =	shalt  }
0x5c: {  	_ =	shalt  }
0x5d: {  	_ =	shalt  }
0x5e: {  	_ =	shalt  }
0x5f: {  	_ =	shalt  }
0x60: {  	_ =	shalt  }
0x61: {  	_ =	shalt  }
0x62: {  	_ =	shalt  }
0x63: {  	_ =	shalt  }
0x64: {  	_ =	shalt  }
0x65: {  	_ =	shalt  }
0x66: {  	_ =	shalt  }
0x67: {  	_ =	shalt  }
0x68: {  	_ =	shalt  }
0x69: {  	_ =	shalt  }
0x6a: {  	_ =	shalt  }
0x6b: {  	_ =	shalt  }
0x6c: {  	_ =	shalt  }
0x6d: {  	_ =	shalt  }
0x6e: {  	_ =	shalt  }
0x6f: {  	_ =	shalt  }
0x70: {  	_ =	shalt  }
0x71: {  	_ =	shalt  }
0x72: {  	_ =	shalt  }
0x73: {  	_ =	shalt  }
0x74: {  	_ =	shalt  }
0x75: {  	_ =	shalt  }
0x76: {  	_ =	shalt  }
0x77: {  	_ =	shalt  }
0x78: {  	_ =	shalt  }
0x79: {  	_ =	shalt  }
0x7a: {  	_ =	shalt  }
0x7b: {  	_ =	shalt  }
0x7c: {  	_ =	shalt  }
0x7d: {  	_ =	shalt  }
0x7e: {  	_ =	shalt  }
0x7f: {  	_ =	shalt  }
0x80: {  	_ =	shalt  }
0x81: {  	_ =	shalt  }
0x82: {  	_ =	shalt  }
0x83: {  	_ =	shalt  }
0x84: {  	_ =	shalt  }
0x85: {  	_ =	shalt  }
0x86: {  	_ =	shalt  }
0x87: {  	_ =	shalt  }
.Lfunc_end0:
.L_simem_size_0:
called_computation_lowered:
.L_overlay_start_0:
0x88: {  	s2 =	sld [smem:$0x3FD9]  }
0x89: {  	s3 =	sld [smem:$0x3FFE];
	_ =	sdelay $0x1  }
0x8a: {  	s1 =	srdreg.scid  }
0x8b: {  	s0 =	sand.u32 $0x1, s1  }
0x8c: {  	s17 =	sshll.u32 s0, $0xA;
	s2 =	sadd.s32 s3, s2  }
0x8d: {  	s2 =	sadd.s32 s2, s17  }
0x8e: {  	[smem:$0x3FC1] =	sst s2  }
0x8f: {  	_ = 	snop  }
0x90: {  	s2 =	sld [smem:$0x3FD0];
	(tm) =	ssettm $0x1  }
0x91: {  	s18 =	sld [smem:$0x3FFB];
	_ =	sdelay $0x3  }
0x92: {  	_ =	strace s18  }
0x93: {  	s3 =	sld [smem:$0x3FFC];
	_ =	sdelay $0x3  }
0x94: {  	_ =	strace s3  }
0x95: {  	s3 =	sld [smem:$0x3FFD];
	_ =	sdelay $0x3  }
0x96: {  	_ =	strace s3  }
0x97: {  	_ =	strace $0x8FFFFFFF  }
0x98: {  	s19 =	sld [smem:$0x3FDB];
	_ =	sdelay $0x1  }
0x99: {  	s4 =	simm.s32 $_scs_section_size  }
0x9a: {  	s5 =	simm.s32 $_size__tile_overlayer_lowered;
	s6 =	simm.s32 $_tile_overlayer_lowered  }
0x9b: {  	s22 =	simm.s32 $0x1BFF;
	s21 =	sshll.u32 s6, $0x1;
	s3 =	sadd.s32 s4, s19  }
0x9c: {  	s7 =	simm.s32 $0x0;
	s20 =	sshll.u32 s5, $0x1;
	s5 =	sadd.s32 s21, s3  }
0x9d: {  	[timem:s7], [sflag:s22] =	dma.local [hbm:s5], s20  }
0x9e: {  	_ =	swait.ge [sflag:s22], s20  }
0x9f: {  	s4 =	ssub.s32 $0x0, s20;
	[sflag:s22] =	ssyncset.done $0x0  }
0xa0: {  	[sflag:s22] =	ssyncadd.s32 s4;
	_ =	sdelay $0x1  }
0xa1: {  	s23 =	simm.s32 $0x1B8B  }
0xa2: {  	_ =	swait.ge [sflag:s23], $0x1  }
0xa3: {  	[sflag:s23] =	ssyncset.done $0x0  }
0xa4: {  	s25 =	simm.s32 $0x1B8E;
	s24 =	sld [smem:$0x3FFE];
	[sflag:s23] =	ssyncadd.s32 $0xFFFFFFFF  }
0xa5: {  	s26 =	simm.s32 $execute0_lowered;
	[smem:$0x3FD2] =	sst s25  }
0xa6: {  	s5 =	sshll.u32 s26, $0x1;
	_ =	strace $0x80000046;
	[dreg:$0x1] =	wrdreg $0xFFFFFFFF  }
0xa7: {  	s28 =	simm.s32 $_size_execute0_lowered;
	s3 =	sadd.s32 s3, s5;
	[dreg:$0x0] =	wrdreg $0x0  }
0xa8: {  	s5 =	sshll.u32 s28, $0x1;
	[dreg:$0x2] =	wrdreg s3  }
0xa9: {  	[dreg:$0x3] =	wrdreg s5  }
0xaa: {  	[dreg:$0x4] =	wrdreg $0xC0  }
0xab: {  	_ =	task [dreg:s7], $0x5FFFF  }
0xac: {  	[dreg:$0x1] =	wrdreg $0xFFFFFFFF  }
0xad: {  	[dreg:$0x0] =	wrdreg $0x60  }
0xae: {  	[dreg:$0x2] =	wrdreg s24  }
0xaf: {  	[dreg:$0x3] =	wrdreg s2  }
0xb0: {  	[dreg:$0x4] =	wrdreg $0x128800  }
0xb1: {  	[dreg:$0x5] =	wrdreg $0x9  }
0xb2: {  	_ =	task.clear_ibuf [dreg:s7], $0x6FFFF;
	_ =	strace $0x90000046  }
0xb3: {  	s29 =	simm.s32 $0x9;
	_ =	strace $0x8000004A  }
0xb4: {  	_ =	swait.ge [sflag:s29], $0x1  }
0xb5: {  	[sflag:s29] =	ssyncadd.s32 $0xFFFFFFFF  }
0xb6: {  	_ =	strace $0x9000004A  }
0xb7: {  	_ =	sfence  }
0xb8: {  	s30 =	sld [smem:$0x0];
	_ =	sdelay $0x2  }
0xb9: {  	s31 =	sshll.u32 s1, $0xD;
	s1 =	sshrl.u32 s1, $0x2  }
0xba: {  	s3 =	sand.u32 $0x4000, s31;
	s1 =	sadd.s32 s1, s30  }
0xbb: {  	s0 =	sor.u32 s3, s0;
	s1 =	sshll.u32 s1, $0x11  }
0xbc: {  	s0 =	sor.u32 s1, s0  }
0xbd: {  	s0 =	sadd.s32 $0x8F2B, s0  }
0xbe: {  	[sflag:s0] =	ssyncadd.remote.s32 $0x1  }
0xbf: {  	_ =	sfence.sel $0xFFFF  }
0xc0: {  	[dreg:$0x0] =	wrdreg $0xFFFFFFFF;
	(pc) =	sbr.abs _section_cstart, $3  }
0xc1: {  	[dreg:$0x1] =	wrdreg $0xFFFFFFFF  }
0xc2: {  	_ =	task.clear_ibuf [dreg:s7], $0x2FFFF;
	_ =	strace $0x9FFFFFFF  }
0xc3: {  	(tm) =	ssettm $0x7FFFFFFF  }
tec
execute0_lowered:
.L_overlay_start_1:
0x0: {  	(tag) =	ssettag $0x1  }
0x1: {  	s4 =	rddreg [dreg:$0x0]  }
0x2: {  	s6 =	rddreg [dreg:$0x1];
	s0 =	srdreg.scid  }
0x3: {  	s8 =	stileid.u32;
	s1 =	rddreg [dreg:$0x2];
	s2 =	simm.s32 $0x0  }
0x4: {  	s11 =	simm.s32 $0x1;
	s12 =	simm.s32 $0x2;
	s13 =	simm.s32 $0x3  }
0x5: {  	s14 =	simm.s32 $0x12780;
	s15 =	simm.s32 $0x4;
	s16 =	simm.s32 $0x0  }
0x6: {  	s5 =	sand.u32 $0x1, s0;
	s3 =	sshll.u32 s8, $0x1;
	s0 =	rddreg [dreg:$0x3]  }
0x7: {  	[smem:$0x7FF] =	sst s2;
	p0 =	sne.s32 s8, $0x0;
	s8 =	simm.s32 $0xC380  }
0x8: {  	s7 =	sor.u32 s5, s3;
	_ =	strace $0x80000047;
	s5 =	ssub.s32 $0x2, s5  }
0x9: {  	s9 =	smul.u32 $0xC80, s7;
	s10 =	sshrl.u32 s5, $0x1;
	s7 =	sshll.u32 s7, $0x4  }
0xa: {  	s3 =	sadd.s32 $0x1000, s4;
	s10 =	ssub.s32 s5, s10;
	s6 =	sadd.s32 s6, s7  }
0xb: {  	s9 =	sadd.s32 s9, s4;
	s4 =	sadd.s32 $0xE00, s4;
	s7 =	smax.u32 s10, $0x1  }
0xc: {  	v0 =	vimm.s32 $0x0;
	v1 =	vimm.f32 $0.0e+00;
	s10 =	sshrl.u32 @!p0 s1, $0x3;
	s5 =	sadd.s32 $0x2A00, s9;
	s9 =	simm.s32 $0x12800  }
.LBB2_1:
0xd: {  	_ =	strace $0x80000048  }
0xe: {  	[tilespmem:s8], [sflag:$0x2] =	stream.linear.gather [hbm4b:s5+s2], $0x6400, $0x200038;
	[tilespmem:$0x134B8] =	vst v63  }
0xf: {  	s17 =	simm.s32 @!p0 $0x1C04  }
0x10: {  	[tilespmem:s9], [sflag:$0x3] =	stream.linear.gather [hbm4b:s4+s2], $0x10, $0x200038;
	[tilespmem:$0x134B8] =	vst v63  }
0x11: {  	[spmem:s10], [sflag:s17] =	dma.local @!p0 [hbm:s3], $0x1870  }
0x12: {  	s17 =	simm.s32 @!p0 $0x4  }
0x13: {  	_ =	swait.ge @!p0 [sflag:s17], $0x1870  }
0x14: {  	[sflag:s17] =	ssyncset.done @!p0 $0x0  }
0x15: {  	[sflag:s17] =	ssyncadd.s32 @!p0 $0xFFFFE790  }
0x16: {  	[bflag:$0x0] =	sbarrier.arrive $0xFFFF  }
0x17: {  	[tilespmem:s2], [sflag:$0x1] =	stream.linear.gather [spmem:s1], $0xC350, $0x200038;
	[tilespmem:$0x134B8] =	vst v63  }
0x18: {  	[tilespmem:$0xC350] =	vst v0  }
0x19: {  	_ =	swait.ge [sflag:s11], $0xC350  }
0x1a: {  	[sflag:s11] =	ssyncset.done $0x0  }
0x1b: {  	[sflag:s11] =	ssyncadd.s32 $0xFFFF3CB0  }
0x1c: {  	_ =	swait.ge [sflag:s12], $0x6400  }
0x1d: {  	[sflag:s12] =	ssyncset.done $0x0  }
0x1e: {  	[sflag:s12] =	ssyncadd.s32 $0xFFFF9C00  }
0x1f: {  	_ =	swait.ge [sflag:s13], $0x10  }
0x20: {  	[sflag:s13] =	ssyncset.done $0x0  }
0x21: {  	[sflag:s13] =	ssyncadd.s32 $0xFFFFFFF0  }
0x22: {  	_ =	strace $0x90000048  }
0x23: {  	s18 =	simm.s32 $0x0;
	s17 =	simm.s32 $0xC580;
	v2 =	vld [tilespmem:$0x12800];
	_ =	strace $0x80000049  }
.LBB2_2:
0x24: {  	v3 =	vmov s17;
	_ =	sdelay $0x3  }
0x25: {  	s19 =	simm.s32 $0x0  }
0x26: {  	v4 =	vld.idx.msk [tilespmem:v3+s19+$0x180 ss:$0x1], $0xffff  }
0x27: {  	v5 =	vld.idx.msk [tilespmem:v3+s19+$0x100 ss:$0x1], $0xffff  }
0x28: {  	v6 =	vld.idx.msk [tilespmem:v3+s19+$0x80 ss:$0x1], $0xffff  }
0x29: {  	v7 =	vld.idx.msk [tilespmem:v3+s19+$0xFFFFFE00 ss:$0x1], $0xffff  }
0x2a: {  	v8 =	vld.idx.msk [tilespmem:v3+s19+$0xFFFFFE80 ss:$0x1], $0xffff  }
0x2b: {  	v9 =	vld.idx.msk [tilespmem:v3+s19+$0x0 ss:$0x1], $0xffff  }
0x2c: {  	v10 =	vld.idx.msk [tilespmem:v3+s19+$0xFFFFFF00 ss:$0x1], $0xffff  }
0x2d: {  	v11 =	vld.idx.msk [tilespmem:v3+s19+$0xFFFFFF80 ss:$0x1], $0xffff  }
0x2e: {  	v12 =	vimm.f32 $0.0e+00;
	v13 =	vand.u32 $0x7FFFFFFF, v7  }
0x2f: {  	v14 =	vand.u32 $0x7FFFFFFF, v8;
	vm0 =	vlt.s32 v4, $0x0;
	v15 =	vand.u32 $0x7FFFFFF0, v4  }
0x30: {  	vm2 =	vlt.s32 v6, $0x0;
	vm1 =	vlt.s32 v5, $0x0;
	v16 =	vand.u32 $0x7FFFFFF0, v5  }
0x31: {  	v17 =	vand.u32 $0x7FFFFFFF, v10;
	vm6 =	vlt.s32 v9, $0x0;
	v18 =	vand.u32 $0x7FFFFFF0, v6  }
0x32: {  	vm7 =	vlt.s32 v11, $0x0;
	v19 =	vand.u32 $0x7FFFFFF0, v11;
	v20 =	vand.u32 $0x7FFFFFF0, v9  }
0x33: {  	vm9 =	vlt.s32 v10, $0x0;
	v10 =	vand.u32 $0x7FFFFFF0, v10;
	v11 =	vand.u32 $0x7FFFFFFF, v11  }
0x34: {  	vm10 =	vlt.s32 v8, $0x0;
	v8 =	vand.u32 $0x7FFFFFF0, v8;
	v21 =	vand.u32 $0x7FFFFFFF, v4;
	v13 =	vld.idx.msk [tilespmem:v13+s2+$0x0], $0xffff  }
0x35: {  	vm11 =	vlt.s32 v7, $0x0;
	v9 =	vand.u32 $0x7FFFFFFF, v9;
	v5 =	vand.u32 $0x7FFFFFFF, v5;
	v4 =	vld.idx.msk [tilespmem:v14+s2+$0x0], $0xffff  }
0x36: {  	v7 =	vand.u32 $0x7FFFFFF0, v7;
	v6 =	vand.u32 $0x7FFFFFFF, v6;
	vm3 =	vlt.u32 v15, $0xC350  }
0x37: {  	vm8 =	vlt.u32 v20, $0xC350;
	vm5 =	vlt.u32 v18, $0xC350;
	vm4 =	vlt.u32 v16, $0xC350;
	v14 =	vld.idx.msk [tilespmem:v17+s2+$0x0], $0xffff  }
0x38: {  	vm12 =	vlt.u32 v8, $0xC350;
	vm13 =	vlt.u32 v10, $0xC350;
	vm14 =	vlt.u32 v19, $0xC350  }
0x39: {  	vm15 =	vlt.u32 v7, $0xC350;
	v10 =	vld.idx.msk [tilespmem:v11+s2+$0x0], $0xffff;
	v8 =	vand.u32 $0xFFFF0000, v13;
	v11 =	vshll.u32 v13, $0x10  }
0x3a: {  	v7 =	vsel vm11, v8, v11;
	v8 =	vsel vm15, $0x3F800000, v1;
	v11 =	vand.u32 $0xFFFF0000, v4  }
0x3b: {  	v13 =	vld.idx.msk [tilespmem:v9+s2+$0x0], $0xffff;
	v4 =	vshll.u32 v4, $0x10;
	v9 =	vadd.f32 v7, v12;
	v8 =	vadd.f32 v8, v12  }
0x3c: {  	v4 =	vsel vm10, v11, v4;
	v11 =	vsel vm12, $0x3F800000, v1;
	v12 =	vand.u32 $0xFFFF0000, v14  }
0x3d: {  	v7 =	vld.idx.msk [tilespmem:v6+s2+$0x0], $0xffff;
	v6 =	vadd.f32 v4, v9;
	v9 =	vadd.f32 v11, v8;
	v4 =	vshll.u32 v14, $0x10  }
0x3e: {  	s21 =	simm.s32 $0x400;
	v14 =	vand.u32 $0xFFFF0000, v10;
	v8 =	vld.idx.msk [tilespmem:v5+s2+$0x0], $0xffff;
	v11 =	vsel vm9, v12, v4;
	v12 =	vsel vm13, $0x3F800000, v1  }
0x3f: {  	v5 =	vshll.u32 v10, $0x10;
	v4 =	vld.idx.msk [tilespmem:v3+s21+$0x180 ss:$0x1], $0xffff;
	v6 =	vadd.f32 v11, v6;
	v11 =	vadd.f32 v12, v9  }
0x40: {  	v10 =	vsel vm7, v14, v5;
	v14 =	vand.u32 $0xFFFF0000, v13;
	v5 =	vld.idx.msk [tilespmem:v3+s21+$0x100 ss:$0x1], $0xffff;
	v12 =	vsel vm14, $0x3F800000, v1  }
0x41: {  	v9 =	vld.idx.msk [tilespmem:v21+s2+$0x0], $0xffff;
	v10 =	vadd.f32 v10, v6;
	v11 =	vadd.f32 v12, v11;
	v12 =	vshll.u32 v13, $0x10  }
0x42: {  	s20 =	simm.s32 $0x2000;
	s19 =	sshll.u32 s18, $0x4;
	v6 =	vld.idx.msk [tilespmem:v3+s21+$0x80 ss:$0x1], $0xffff;
	v13 =	vsel vm6, v14, v12;
	v14 =	vsel vm8, $0x3F800000, v1;
	v12 =	vand.u32 $0xFFFF0000, v7  }
.LBB2_3:
0x43: {  	p1 =	sne.s32 s20, $0x18000;
	v15 =	vld.idx.msk [tilespmem:v3+s21+$0xFFFFFE00 ss:$0x1], $0xffff;
	v10 =	vadd.f32 v13, v10;
	v11 =	vadd.f32 v14, v11;
	v7 =	vshll.u32 v7, $0x10  }
0x44: {  	v14 =	vand.u32 $0xFFFF0000, v8;
	v13 =	vld.idx.msk [tilespmem:v3+s21+$0xFFFFFE80 ss:$0x1], $0xffff;
	v7 =	vsel vm2, v12, v7;
	v12 =	vsel vm5, $0x3F800000, v1  }
0x45: {  	v8 =	vshll.u32 v8, $0x10;
	v16 =	vld.idx.msk [tilespmem:v3+s21+$0x0 ss:$0x1], $0xffff;
	v7 =	vadd.f32 v7, v10;
	v10 =	vadd.f32 v12, v11  }
0x46: {  	v8 =	vsel vm1, v14, v8;
	v12 =	vsel vm4, $0x3F800000, v1;
	v14 =	vand.u32 $0xFFFF0000, v9;
	v11 =	vld.idx.msk [tilespmem:v3+s21+$0xFFFFFF00 ss:$0x1], $0xffff  }
0x47: {  	v9 =	vshll.u32 v9, $0x10;
	v17 =	vld.idx.msk [tilespmem:v3+s21+$0xFFFFFF80 ss:$0x1], $0xffff;
	v7 =	vadd.f32 v8, v7;
	v8 =	vadd.f32 v12, v10  }
0x48: {  	v9 =	vsel vm0, v14, v9;
	v10 =	vsel vm3, $0x3F800000, v1  }
0x49: {  	v12 =	vand.u32 $0x7FFFFFFF, v15;
	v7 =	vadd.f32 v9, v7;
	v8 =	vadd.f32 v10, v8  }
0x4a: {  	vm0 =	vlt.s32 v4, $0x0;
	v9 =	vand.u32 $0x7FFFFFFF, v13;
	v10 =	vand.u32 $0x7FFFFFF0, v4  }
0x4b: {  	vm1 =	vlt.s32 v5, $0x0;
	v14 =	vand.u32 $0x7FFFFFF0, v5;
	vm2 =	vlt.s32 v6, $0x0  }
0x4c: {  	v19 =	vand.u32 $0x7FFFFFF0, v6;
	vm6 =	vlt.s32 v16, $0x0;
	v18 =	vand.u32 $0x7FFFFFFF, v11  }
0x4d: {  	v21 =	vand.u32 $0x7FFFFFF0, v16;
	vm7 =	vlt.s32 v17, $0x0;
	v20 =	vand.u32 $0x7FFFFFF0, v17  }
0x4e: {  	vm9 =	vlt.s32 v11, $0x0;
	v11 =	vand.u32 $0x7FFFFFF0, v11;
	v17 =	vand.u32 $0x7FFFFFFF, v17;
	v12 =	vld.idx.msk [tilespmem:v12+s2+$0x0], $0xffff  }
0x4f: {  	v22 =	vand.u32 $0x7FFFFFFF, v4;
	vm10 =	vlt.s32 v13, $0x0;
	v13 =	vand.u32 $0x7FFFFFF0, v13;
	v9 =	vld.idx.msk [tilespmem:v9+s2+$0x0], $0xffff  }
0x50: {  	v5 =	vand.u32 $0x7FFFFFFF, v5;
	vm12 =	vlt.s32 v15, $0x0;
	v4 =	vand.u32 $0x7FFFFFFF, v16  }
0x51: {  	v6 =	vand.u32 $0x7FFFFFFF, v6;
	v15 =	vand.u32 $0x7FFFFFF0, v15;
	vm3 =	vlt.u32 v10, $0xC350;
	v16 =	vld.idx.msk [tilespmem:v18+s2+$0x0], $0xffff  }
0x52: {  	vm4 =	vlt.u32 v14, $0xC350;
	vm5 =	vlt.u32 v19, $0xC350;
	vm8 =	vlt.u32 v21, $0xC350  }
0x53: {  	vm13 =	vlt.u32 v13, $0xC350;
	vm14 =	vlt.u32 v11, $0xC350;
	vm11 =	vlt.u32 v20, $0xC350;
	v10 =	vld.idx.msk [tilespmem:v17+s2+$0x0], $0xffff  }
0x54: {  	vm15 =	vlt.u32 v15, $0xC350;
	v11 =	vand.u32 $0xFFFF0000, v12;
	v12 =	vshll.u32 v12, $0x10  }
0x55: {  	v11 =	vsel vm12, v11, v12;
	v12 =	vsel vm15, $0x3F800000, v1;
	v13 =	vand.u32 $0xFFFF0000, v9;
	v14 =	vld.idx.msk [tilespmem:v4+s2+$0x0], $0xffff  }
0x56: {  	v4 =	vadd.f32 v11, v7;
	v8 =	vadd.f32 v12, v8;
	v7 =	vshll.u32 v9, $0x10  }
0x57: {  	v11 =	vsel vm13, $0x3F800000, v1;
	v9 =	vsel vm10, v13, v7;
	v12 =	vand.u32 $0xFFFF0000, v16;
	v7 =	vld.idx.msk [tilespmem:v6+s2+$0x0], $0xffff  }
0x58: {  	v6 =	vadd.f32 v9, v4;
	v9 =	vadd.f32 v11, v8;
	v4 =	vshll.u32 v16, $0x10  }
.Ltmp0:
0x59: {  	s21 =	sshra.s32 s20, $0x2;
	v11 =	vsel vm9, v12, v4;
	v12 =	vsel vm14, $0x3F800000, v1;
	v13 =	vand.u32 $0xFFFF0000, v10;
	v8 =	vld.idx.msk [tilespmem:v5+s2+$0x0], $0xffff;
	(pc) =	sbr.rel @p1 .LBB2_3-.Ltmp0, $4  }
0x5a: {  	v6 =	vadd.f32 v11, v6;
	v11 =	vadd.f32 v12, v9;
	v5 =	vshll.u32 v10, $0x10;
	v4 =	vld.idx.msk [tilespmem:v3+s21+$0x180 ss:$0x1], $0xffff  }
0x5b: {  	v12 =	vsel vm11, $0x3F800000, v1;
	v10 =	vsel vm7, v13, v5;
	v13 =	vand.u32 $0xFFFF0000, v14;
	v9 =	vld.idx.msk [tilespmem:v22+s2+$0x0], $0xffff  }
0x5c: {  	v10 =	vadd.f32 v10, v6;
	v11 =	vadd.f32 v12, v11;
	v12 =	vshll.u32 v14, $0x10;
	v5 =	vld.idx.msk [tilespmem:v3+s21+$0x100 ss:$0x1], $0xffff  }
0x5d: {  	s20 =	sadd.s32 $0x1000, s20;
	v14 =	vsel vm8, $0x3F800000, v1;
	v13 =	vsel vm6, v13, v12;
	v12 =	vand.u32 $0xFFFF0000, v7;
	v6 =	vld.idx.msk [tilespmem:v3+s21+$0x80 ss:$0x1], $0xffff  }
0x5e: {  	_ =	sdelay $0x1  }
0x5f: {  	v10 =	vadd.f32 v13, v10;
	v11 =	vadd.f32 v14, v11;
	v7 =	vshll.u32 v7, $0x10  }
0x60: {  	v59 =	vsel vm5, $0x3F800000, v1;
	v60 =	vand.u32 $0xFFFF0000, v8;
	v62 =	vshll.u32 v8, $0x10  }
0x61: {  	v15 =	vld.idx.msk [tilespmem:v3+s21+$0xFFFFFE00 ss:$0x1], $0xffff;
	v20 =	vsel vm4, $0x3F800000, v1;
	v24 =	vsel vm3, $0x3F800000, v1;
	v7 =	vsel vm2, v12, v7  }
0x62: {  	v8 =	vsel vm1, v60, v62;
	v27 =	vand.u32 $0x7FFFFFF0, v4;
	v7 =	vadd.f32 v7, v10  }
0x63: {  	v58 =	vld.idx.msk [tilespmem:v3+s21+$0xFFFFFE80 ss:$0x1], $0xffff;
	v61 =	vadd.f32 v59, v11;
	v21 =	vand.u32 $0xFFFF0000, v9;
	v23 =	vshll.u32 v9, $0x10  }
0x64: {  	v16 =	vld.idx.msk [tilespmem:v3+s21+$0x0 ss:$0x1], $0xffff;
	v35 =	vand.u32 $0x7FFFFFFF, v4;
	v9 =	vsel vm0, v21, v23;
	v28 =	vand.u32 $0x7FFFFFF0, v5  }
0x65: {  	v63 =	vld.idx.msk [tilespmem:v3+s21+$0xFFFFFF00 ss:$0x1], $0xffff;
	v38 =	vand.u32 $0x7FFFFFFF, v5;
	v7 =	vadd.f32 v8, v7;
	v22 =	vadd.f32 v20, v61  }
0x66: {  	v3 =	vld.idx.msk [tilespmem:v3+s21+$0xFFFFFF80 ss:$0x1], $0xffff;
	v29 =	vand.u32 $0x7FFFFFF0, v6;
	v40 =	vand.u32 $0x7FFFFFFF, v6;
	v17 =	vand.u32 $0x7FFFFFF0, v15  }
0x67: {  	vm6 =	vlt.u32 v28, $0xC350;
	v8 =	vadd.f32 v24, v22;
	vm10 =	vlt.u32 v17, $0xC350  }
0x68: {  	v25 =	vand.u32 $0x7FFFFFFF, v15;
	v19 =	vand.u32 $0x7FFFFFF0, v58;
	v20 =	vsel vm10, $0x3F800000, v1  }
0x69: {  	v26 =	vand.u32 $0x7FFFFFFF, v58;
	vm11 =	vlt.u32 v19, $0xC350;
	v8 =	vadd.f32 v20, v8  }
0x6a: {  	v18 =	vand.u32 $0x7FFFFFFF, v63;
	v11 =	vand.u32 $0x7FFFFFF0, v63;
	v31 =	vsel vm11, $0x3F800000, v1  }
0x6b: {  	v30 =	vand.u32 $0x7FFFFFF0, v3;
	vm12 =	vlt.u32 v11, $0xC350;
	v8 =	vadd.f32 v31, v8  }
0x6c: {  	vm1 =	vlt.s32 v63, $0x0;
	v32 =	vand.u32 $0x7FFFFFF0, v16;
	v34 =	vsel vm12, $0x3F800000, v1  }
0x6d: {  	v33 =	vand.u32 $0x7FFFFFFF, v3;
	vm14 =	vlt.u32 v30, $0xC350;
	v12 =	vld.idx.msk [tilespmem:v25+s2+$0x0], $0xffff;
	v8 =	vadd.f32 v34, v8  }
0x6e: {  	vm13 =	vlt.s32 v58, $0x0;
	v36 =	vand.u32 $0x7FFFFFFF, v16;
	v37 =	vsel vm14, $0x3F800000, v1  }
0x6f: {  	v7 =	vadd.f32 v9, v7;
	vm9 =	vlt.u32 v32, $0xC350;
	v9 =	vld.idx.msk [tilespmem:v26+s2+$0x0], $0xffff;
	v8 =	vadd.f32 v37, v8  }
0x70: {  	vm15 =	vlt.s32 v15, $0x0;
	v46 =	vsel vm6, $0x3F800000, v1;
	v41 =	vsel vm9, $0x3F800000, v1  }
0x71: {  	vm10 =	vlt.u32 v27, $0xC350;
	vm11 =	vlt.u32 v29, $0xC350;
	v39 =	vld.idx.msk [tilespmem:v18+s2+$0x0], $0xffff;
	v8 =	vadd.f32 v41, v8  }
0x72: {  	v43 =	vsel vm11, $0x3F800000, v1;
	v42 =	vand.u32 $0xFFFF0000, v12;
	v12 =	vshll.u32 v12, $0x10  }
0x73: {  	vm12 =	vlt.s32 v3, $0x0;
	v44 =	vld.idx.msk [tilespmem:v33+s2+$0x0], $0xffff;
	v10 =	vsel vm15, v42, v12;
	v8 =	vadd.f32 v43, v8  }
0x74: {  	v13 =	vld.idx.msk [tilespmem:v36+s2+$0x0], $0xffff;
	v45 =	vand.u32 $0xFFFF0000, v9;
	v9 =	vshll.u32 v9, $0x10;
	v7 =	vadd.f32 v10, v7  }
0x75: {  	v49 =	vsel vm10, $0x3F800000, v1;
	v9 =	vsel vm13, v45, v9;
	v8 =	vadd.f32 v46, v8  }
0x76: {  	v3 =	vld.idx.msk [tilespmem:v40+s2+$0x0], $0xffff;
	v47 =	vand.u32 $0xFFFF0000, v39;
	v48 =	vshll.u32 v39, $0x10;
	v7 =	vadd.f32 v9, v7  }
0x77: {  	vm0 =	vlt.s32 v16, $0x0;
	v9 =	vsel vm1, v47, v48;
	v8 =	vadd.f32 v49, v8  }
0x78: {  	v50 =	vand.u32 $0xFFFF0000, v44;
	v51 =	vshll.u32 v44, $0x10;
	v7 =	vadd.f32 v9, v7  }
0x79: {  	v52 =	vld.idx.msk [tilespmem:v38+s2+$0x0], $0xffff;
	v53 =	vand.u32 $0xFFFF0000, v13;
	v9 =	vsel vm12, v50, v51;
	v8 =	vmax.f32 v8, $1.000000000e+00  }
0x7a: {  	v55 =	vld.idx.msk [tilespmem:v35+s2+$0x0], $0xffff;
	v54 =	vshll.u32 v13, $0x10;
	v7 =	vadd.f32 v9, v7;
	(erf) = vrcp.f32 v8  }
0x7b: {  	v57 =	vand.u32 $0xFFFF0000, v3;
	v56 =	vsel vm0, v53, v54  }
0x7c: {  	v3 =	vshll.u32 v3, $0x10;
	vm13 =	vlt.s32 v6, $0x0;
	v7 =	vadd.f32 v56, v7  }
0x7d: {  	vm14 =	vlt.s32 v5, $0x0;
	v3 =	vsel vm13, v57, v3  }
0x7e: {  	v58 =	vand.u32 $0xFFFF0000, v52;
	v59 =	vshll.u32 v52, $0x10;
	v3 =	vadd.f32 v3, v7  }
0x7f: {  	v61 =	vand.u32 $0xFFFF0000, v55;
	v60 =	vsel vm14, v58, v59  }
0x80: {  	v62 =	vshll.u32 v55, $0x10;
	vm15 =	vlt.s32 v4, $0x0;
	v3 =	vadd.f32 v60, v3  }
0x81: {  	v4 =	vsel vm15, v61, v62  }
0x82: {  	v3 =	vadd.f32 v4, v3  }
0x83: {  	v63 =	vpop (erf)  }
0x84: {  	v3 =	vmul.f32 v63, v3;
	_ =	sdelay $0x1  }
0x85: {  	v3 =	vadd.f32 v3, v2;
	_ =	sdelay $0x1  }
0x86: {  	v3 =	vsub.f32 $0.0e+00, v3;
	_ =	sdelay $0x1  }
0x87: {  	v3 =	vmul.f32 $1.442695020e+00, v3;
	_ =	sdelay $0x1  }
0x88: {  	(erf) = vpow2.f32 v3;
	_ =	sdelay $0x8  }
0x89: {  	v3 =	vpop (erf)  }
0x8a: {  	v3 =	vadd.f32 $1.000000000e+00, v3;
	_ =	sdelay $0x1  }
0x8b: {  	(erf) = vrcp.f32 v3;
	_ =	sdelay $0x3  }
0x8c: {  	s18 =	sadd.s32 $0x1, s18  }
0x8d: {  	p1 =	sne.s32 s18, $0x8  }
.Ltmp1:
0x8e: {  	_ = 	snop;
	(pc) =	sbr.rel @p1 .LBB2_2-.Ltmp1, $3  }
0x8f: {  	_ =	sdelay $0x1  }
0x90: {  	v3 =	vpop (erf)  }
0x91: {  	s17 =	sadd.s32 $0x10, s17;
	[tilespmem:s19+$0x12780] =	vst v3  }
0x92: {  	s16 =	sadd.s32 $0x1, s16  }
0x93: {  	p1 =	sne.s32 s16, s7  }
.Ltmp2:
0x94: {  	_ =	strace $0x90000049;
	(pc) =	sbr.rel @p1 .LBB2_1-.Ltmp2, $4  }
0x95: {  	[hbm4b:s6+s2] =	stream.linear.scatter [tilespmem:s14], [sflag:$0x4], $0x80, $0x38;
	[tilespmem:$0x134B8] =	vst v63  }
0x96: {  	_ =	swait.ge [sflag:s15], $0x80  }
0x97: {  	[sflag:s15] =	ssyncset.done $0x0  }
0x98: {  	[sflag:s15] =	ssyncadd.s32 $0xFFFFFF80  }
0x99: {  	_ =	sfence.sel $0x180000  }
0x9a: {  	[bflag:$0x0] =	sbarrier.arrive $0xFFFF  }
0x9b: {  	_ =	strace $0x90000047  }
0x9c: {  	s0 =	sadd.s32 @!p0 $0x100000, s0;
	[bflag:$0x2] =	sbarrier.arrive $0xFFFF  }
0x9d: {  	[sflag:s0] =	ssyncadd.tile.s32 @!p0 $0x1;
	_ =	shalt  }
.Lfunc_end2:
_tile_overlayer_lowered:
.L_overlay_start_2:
0x9e: {  	(tag) =	ssettag $0x2  }
0x9f: {  	s0 =	rddreg [dreg:$0x0];
	s2 =	stileid.u32  }
0xa0: {  	s1 =	rddreg [dreg:$0x1];
	p0 =	sne.s32 s2, $0x0  }
0xa1: {  	s3 =	rddreg [dreg:$0x2];
	[bflag:$0x3] =	sbarrier.arrive $0xFFFF;
	s2 =	simm.s32 @!p0 $0x1C04  }
0xa2: {  	[timem:s3], [sflag:s2] =	dma.local @!p0 [hbm:s0], s1  }
0xa3: {  	s0 =	simm.s32 @!p0 $0x4  }
0xa4: {  	_ =	swait.ge @!p0 [sflag:s0], s1  }
0xa5: {  	s1 =	ssub.s32 @!p0 $0x0, s1;
	[sflag:s0] =	ssyncset.done @!p0 $0x0  }
0xa6: {  	[sflag:s0] =	ssyncadd.s32 @!p0 s1  }
0xa7: {  	[bflag:$0x3] =	sbarrier.arrive $0xFFFF  }
0xa8: {  	_ =	shalt  }

</sc_bundles>
